<compile_context>
chip_gen: v7x
topology: tpu7x:2x2x1
jax: 0.10.2.dev20260603
libtpu: 0.0.44.dev20260713+nightly
codegen_flags: <defaults>
</compile_context>

<pallas_src>
import functools
import jax
import jax.numpy as jnp
from jax import lax
from jax.experimental import pallas as pl
from jax.experimental.pallas import tpu as pltpu
from jax.experimental.pallas import tpu_sc as plsc

B, C_IN, N_T = 4, 384, 196
K, D = 1024, 64
NP = 256
NW = 32
ROWS_W = B * NP // NW

_BF = jnp.bfloat16
_F32 = jnp.float32


def _split3(x):
    x0 = x.astype(_BF)
    r1 = x - x0.astype(_F32)
    x1 = r1.astype(_BF)
    x2 = (r1 - x1.astype(_F32)).astype(_BF)
    return x0, x1, x2


def _vq_idx_body(z_ref, w_ref, emb_ref, idx_ref, embp_ref):
    w = w_ref[...]
    emb = emb_ref[...]
    embp_ref[:, :D] = emb
    embp_ref[:, D:] = jnp.zeros((K, 128 - D), jnp.float32)
    emb2 = jnp.sum(emb * emb, axis=1, keepdims=True)
    emb_norm = jnp.sqrt(emb2)

    e0, e1, e2 = _split3(emb)
    m2e0 = (-2.0 * e0.astype(_F32)).astype(_BF)
    m2e1 = (-2.0 * e1.astype(_F32)).astype(_BF)
    m2e2 = (-2.0 * e2.astype(_F32)).astype(_BF)
    a1 = jnp.concatenate([m2e0, m2e1, m2e2, m2e0], axis=1)
    q0, q1, q2 = _split3(emb2)
    onesk = jnp.ones((K, 3), _BF)
    a2 = jnp.concatenate([m2e0, m2e1, q0.astype(_BF), q1.astype(_BF),
                          q2.astype(_BF), onesk], axis=1)

    iota_k = jax.lax.broadcasted_iota(jnp.int32, (K, N_T), 0)
    for b in range(B):
        zb = z_ref[b]
        ze = jnp.dot(w, zb)
        ze2 = jnp.sum(ze * ze, axis=0, keepdims=True)
        s0, s1, s2p = _split3(ze)
        t0, t1, t2 = _split3(ze2)
        x1 = jnp.concatenate([s0, s0, s0, s2p], axis=0)
        ones_n = jnp.ones((1, N_T), _BF)
        x2 = jnp.concatenate([s1, s1, ones_n, ones_n, ones_n,
                              t0.astype(_BF), t1.astype(_BF), t2.astype(_BF)],
                             axis=0)
        num2 = (jnp.dot(a1, x1, preferred_element_type=_F32)
                + jnp.dot(a2, x2, preferred_element_type=_F32))
        den = jnp.sqrt(ze2) + emb_norm
        s2 = num2 / (den * den)
        mins = jnp.min(s2, axis=0, keepdims=True)
        idx = jnp.min(jnp.where(s2 == mins, iota_k, K), axis=0, keepdims=True)
        idx_ref[b, :N_T] = idx[0]
        idx_ref[b, N_T:] = jnp.zeros((NP - N_T,), jnp.int32)


_sc_mesh = plsc.VectorSubcoreMesh(core_axis_name="c", subcore_axis_name="s")


@functools.partial(
    pl.kernel, mesh=_sc_mesh,
    out_type=jax.ShapeDtypeStruct((B * NP, 128), jnp.float32),
    scratch_types=[
        pltpu.VMEM((ROWS_W,), jnp.int32),
        pltpu.VMEM((ROWS_W, 128), jnp.float32),
        pltpu.SemaphoreType.DMA,
    ],
)
def _sc_gather(emb_hbm, idx_hbm, out_hbm, idx_v, rows_v, sem):
    wid = lax.axis_index("s") * 2 + lax.axis_index("c")
    base = wid * ROWS_W
    pltpu.sync_copy(idx_hbm.at[pl.ds(base, ROWS_W)], idx_v)
    pltpu.async_copy(emb_hbm.at[idx_v], rows_v, sem).wait()
    pltpu.sync_copy(rows_v, out_hbm.at[pl.ds(base, ROWS_W)])


@jax.jit
def kernel(z, W, emb):
    idx, embp = pl.pallas_call(
        _vq_idx_body,
        out_shape=(jax.ShapeDtypeStruct((B, NP), jnp.int32),
                   jax.ShapeDtypeStruct((K, 128), jnp.float32)),
    )(z, W, emb)
    rows = _sc_gather(embp, idx.reshape(B * NP))
    zq = rows.reshape(B, NP, 128)[:, :N_T, :D].transpose(0, 2, 1)
    return zq

# --- scband reference (transcript-rebuilt; emitter-appended) ---
"""Pipeline reference for scband-vqema-18408229830940 (READ-ONLY COPY).

The authoritative reference and input builder live on the scoring server;
editing this copy changes nothing except your own understanding.
"""

import jax, jax.numpy as jnp
import numpy as np

B, C_IN, N_T = 4, 384, 196
K, D = 1024, 64

def setup_inputs(seed: int = 0) -> dict:
    key = jax.random.key(seed)
    k1, k2, k3 = jax.random.split(key, 3)
    z = jax.random.normal(k1, (B, C_IN, N_T), dtype=jnp.float32)
    # xavier_uniform for 1x1 conv weight (fan_in=C_IN, fan_out=D)
    w_bound = float(np.sqrt(6.0 / (C_IN + D)))
    W = jax.random.uniform(k2, (D, C_IN), dtype=jnp.float32, minval=-w_bound, maxval=w_bound)
    # xavier_uniform with gain=10 for codebook (fan_in=K, fan_out=D)
    e_bound = float(10.0 * np.sqrt(6.0 / (K + D)))
    emb = jax.random.uniform(k3, (K, D), dtype=jnp.float32, minval=-e_bound, maxval=e_bound)
    return {"z": z, "W": W, "emb": emb}

def reference(z, W, emb):
    # ze = Conv1d(n_in, d, kernel=1, bias=False)(z): (B, D, N)
    ze = jnp.einsum('oi,bin->bon', W, z)
    sg_emb = jax.lax.stop_gradient(emb)
    # scaled_l2_norm(ze[:,None,:,:], emb[None,:,:,None]) summed over quant dim -> (B, K, N)
    diff = ze[:, None, :, :] - sg_emb[None, :, :, None]  # (B, K, D, N)
    num = jnp.sqrt(jnp.sum(diff ** 2, axis=2))            # (B, K, N)
    ze_norm = jnp.sqrt(jnp.sum(ze ** 2, axis=1))          # (B, N)
    emb_norm = jnp.sqrt(jnp.sum(sg_emb ** 2, axis=1))     # (K,)
    den = ze_norm[:, None, :] + emb_norm[None, :, None]   # (B, K, N)
    snorm = num / den
    min_ind = jnp.argmin(snorm, axis=1)                   # (B, N)
    zq = jnp.take(sg_emb, min_ind, axis=0)                # (B, N, D)
    zq = jnp.transpose(zq, (0, 2, 1))                     # (B, D, N), matches ze
    # ReplaceGrad: forward value is zq, gradient routed to ze (straight-through)
    zq_rg = ze + jax.lax.stop_gradient(zq - ze)
    return zq_rg

if __name__ == "__main__":
    import jax
    _d = setup_inputs()
    print(jax.jit(kernel)(*tuple(_d.values())))

</pallas_src>

<mosaic_0001>
#map = affine_map<(d0, d1) -> (0, 0)>
#map1 = affine_map<(d0, d1) -> (0)>
module attributes {stable_mosaic.version = 14 : i64} {
  func.func @_sc_gather(%arg0: i32, %arg1: i32, %arg2: memref<1024x128xf32, #tpu.memory_space<hbm>>, %arg3: memref<1024xi32, #tpu.memory_space<hbm>>, %arg4: memref<1024x128xf32, #tpu.memory_space<hbm>>, %arg5: memref<32xi32, #tpu.memory_space<vmem>>, %arg6: memref<32x128xf32, #tpu.memory_space<vmem>>, %arg7: memref<!tpu.dma_semaphore, #tpu.memory_space<semaphore_mem>>) attributes {dimension_semantics = [#tpu.dimension_semantics<core_parallel>, #tpu.dimension_semantics<subcore_parallel>], iteration_bounds = array<i64: 2, 16>, scalar_prefetch = 0 : i64, scratch_operands = 3 : i64, tpu.core_type = #tpu.core_type<sc_vector_subcore>, window_params = [{transform_indices = #map}, {transform_indices = #map1}, {transform_indices = #map}]} {
    %mul3A = arith.constant 2 : i32
    %mul3A_0 = arith.muli %arg1, %mul3A : i32
    %add3A = arith.addi %mul3A_0, %arg0 : i32
    %mul3A_1 = arith.constant 32 : i32
    %mul3A_2 = arith.muli %add3A, %mul3A_1 : i32
    "tpu.region"() ({
      %run_scoped3A = tpu.sem_alloc : memref<!tpu.dma_semaphore, #tpu.memory_space<semaphore_mem>>
      %dma_start3A_7 = tpu.memref_slice %arg3[%mul3A_2] : memref<1024xi32, #tpu.memory_space<hbm>> -> memref<32xi32, #tpu.memory_space<hbm>>
      %dma_start3A_8 = tpu.memref_slice %arg3[%mul3A_2] : memref<1024xi32, #tpu.memory_space<hbm>> -> memref<32xi32, #tpu.memory_space<hbm>>
      tpu.enqueue_dma source(%dma_start3A_8 : memref<32xi32, #tpu.memory_space<hbm>>) target(%arg5 : memref<32xi32, #tpu.memory_space<vmem>>) target_semaphore(%run_scoped3A : memref<!tpu.dma_semaphore, #tpu.memory_space<semaphore_mem>>)
      %dma_wait3A_9 = tpu.memref_slice %arg3[%mul3A_2] : memref<1024xi32, #tpu.memory_space<hbm>> -> memref<32xi32, #tpu.memory_space<hbm>>
      %dma_wait3A_10 = tpu.memref_slice %arg3[%mul3A_2] : memref<1024xi32, #tpu.memory_space<hbm>> -> memref<32xi32, #tpu.memory_space<hbm>>
      tpu.wait_dma2 semaphore(%run_scoped3A : memref<!tpu.dma_semaphore, #tpu.memory_space<semaphore_mem>>) src(%dma_wait3A_10 : memref<32xi32, #tpu.memory_space<hbm>>) dst(%arg5 : memref<32xi32, #tpu.memory_space<vmem>>)
      tpu.yield
    }) : () -> ()
    %dma_start3A = arith.constant 0 : i32
    %dma_start3A_3 = arith.constant 0 : i32
    %dma_start3A_4 = tpu.memref_slice %arg2[%dma_start3A, %dma_start3A_3] : memref<1024x128xf32, #tpu.memory_space<hbm>> -> memref<1024x128xf32, #tpu.memory_space<hbm>>
    tpu.enqueue_indirect_dma source(%dma_start3A_4 : memref<1024x128xf32, #tpu.memory_space<hbm>>) target(%arg6 : memref<32x128xf32, #tpu.memory_space<vmem>>) offsets(%arg5 : memref<32xi32, #tpu.memory_space<vmem>>) semaphore(%arg7 : memref<!tpu.dma_semaphore, #tpu.memory_space<semaphore_mem>>)
    %dma_wait3A = arith.constant 0 : i32
    %dma_wait3A_5 = arith.constant 0 : i32
    %dma_wait3A_6 = tpu.memref_slice %arg2[%dma_wait3A, %dma_wait3A_5] : memref<1024x128xf32, #tpu.memory_space<hbm>> -> memref<1024x128xf32, #tpu.memory_space<hbm>>
    tpu.wait_indirect_dma semaphore(%arg7 : memref<!tpu.dma_semaphore, #tpu.memory_space<semaphore_mem>>) src(%dma_wait3A_6 : memref<1024x128xf32, #tpu.memory_space<hbm>>) dst(%arg6 : memref<32x128xf32, #tpu.memory_space<vmem>>)
    "tpu.region"() ({
      %run_scoped3A = tpu.sem_alloc : memref<!tpu.dma_semaphore, #tpu.memory_space<semaphore_mem>>
      %dma_start3A_7 = arith.constant 0 : i32
      %dma_start3A_8 = tpu.memref_slice %arg4[%mul3A_2, %dma_start3A_7] : memref<1024x128xf32, #tpu.memory_space<hbm>> -> memref<32x128xf32, #tpu.memory_space<hbm>>
      %dma_start3A_9 = arith.constant 0 : i32
      %dma_start3A_10 = tpu.memref_slice %arg4[%mul3A_2, %dma_start3A_9] : memref<1024x128xf32, #tpu.memory_space<hbm>> -> memref<32x128xf32, #tpu.memory_space<hbm>>
      tpu.enqueue_dma source(%arg6 : memref<32x128xf32, #tpu.memory_space<vmem>>) target(%dma_start3A_10 : memref<32x128xf32, #tpu.memory_space<hbm>>) target_semaphore(%run_scoped3A : memref<!tpu.dma_semaphore, #tpu.memory_space<semaphore_mem>>)
      %dma_wait3A_11 = arith.constant 0 : i32
      %dma_wait3A_12 = tpu.memref_slice %arg4[%mul3A_2, %dma_wait3A_11] : memref<1024x128xf32, #tpu.memory_space<hbm>> -> memref<32x128xf32, #tpu.memory_space<hbm>>
      %dma_wait3A_13 = arith.constant 0 : i32
      %dma_wait3A_14 = tpu.memref_slice %arg4[%mul3A_2, %dma_wait3A_13] : memref<1024x128xf32, #tpu.memory_space<hbm>> -> memref<32x128xf32, #tpu.memory_space<hbm>>
      tpu.wait_dma2 semaphore(%run_scoped3A : memref<!tpu.dma_semaphore, #tpu.memory_space<semaphore_mem>>) src(%arg6 : memref<32x128xf32, #tpu.memory_space<vmem>>) dst(%dma_wait3A_14 : memref<32x128xf32, #tpu.memory_space<hbm>>)
      tpu.yield
    }) : () -> ()
    return
  }
}

module attributes {stable_mosaic.version = 14 : i64} {
  func.func @_vq_idx_body(%arg0: memref<4x384x196xf32, #tpu.memory_space<vmem>>, %arg1: memref<64x384xf32, #tpu.memory_space<vmem>>, %arg2: memref<1024x64xf32, #tpu.memory_space<vmem>>, %arg3: memref<4x256xi32, #tpu.memory_space<vmem>>, %arg4: memref<1024x128xf32, #tpu.memory_space<vmem>>) attributes {dimension_semantics = [], scalar_prefetch = 0 : i64, scratch_operands = 0 : i64, tpu.core_type = #tpu.core_type<tc>} {
    %get3A = arith.constant 0 : index
    %get3A_0 = arith.constant 0 : index
    %get3A_1 = vector.load %arg1[%get3A, %get3A_0] : memref<64x384xf32, #tpu.memory_space<vmem>>, vector<64x384xf32>
    %get3A_2 = arith.constant 0 : index
    %get3A_3 = arith.constant 0 : index
    %get3A_4 = vector.load %arg2[%get3A_2, %get3A_3] : memref<1024x64xf32, #tpu.memory_space<vmem>>, vector<1024x64xf32>
    %swap3A = arith.constant 0 : index
    %swap3A_5 = arith.constant 0 : index
    %swap3A_6 = vector.load %arg4[%swap3A, %swap3A_5] : memref<1024x128xf32, #tpu.memory_space<vmem>>, vector<1024x64xf32>
    tpu.vector_store %arg4[%swap3A, %swap3A_5], %get3A_4 {strides = array<i32>} : memref<1024x128xf32, #tpu.memory_space<vmem>>, vector<1024x64xf32>,
    %broadcast_in_dim3A = arith.constant 0.000000e+00 : f32
    %broadcast_in_dim3A_7 = vector.broadcast %broadcast_in_dim3A : f32 to vector<1024x64xf32>
    %swap3A_8 = arith.constant 0 : index
    %swap3A_9 = arith.constant 64 : index
    %swap3A_10 = vector.load %arg4[%swap3A_8, %swap3A_9] : memref<1024x128xf32, #tpu.memory_space<vmem>>, vector<1024x64xf32>
    tpu.vector_store %arg4[%swap3A_8, %swap3A_9], %broadcast_in_dim3A_7 {strides = array<i32>} : memref<1024x128xf32, #tpu.memory_space<vmem>>, vector<1024x64xf32>,
    %mul3A = arith.mulf %get3A_4, %get3A_4 : vector<1024x64xf32>
    %reduce_sum3A = arith.constant dense<0.000000e+00> : vector<1024xf32>
    %reduce_sum3A_11 = vector.multi_reduction <add>, %mul3A, %reduce_sum3A [1] : vector<1024x64xf32> to vector<1024xf32>
    %broadcast_in_dim3A_12 = vector.shape_cast %reduce_sum3A_11 : vector<1024xf32> to vector<1024x1xf32>
    %sqrt3A = math.sqrt %broadcast_in_dim3A_12 : vector<1024x1xf32>
    %convert_element_type3A = arith.truncf %get3A_4 : vector<1024x64xf32> to vector<1024x64xbf16>
    %convert_element_type3A_13 = arith.extf %convert_element_type3A : vector<1024x64xbf16> to vector<1024x64xf32>
    %sub3A = arith.subf %get3A_4, %convert_element_type3A_13 : vector<1024x64xf32>
    %convert_element_type3A_14 = arith.truncf %sub3A : vector<1024x64xf32> to vector<1024x64xbf16>
    %convert_element_type3A_15 = arith.extf %convert_element_type3A_14 : vector<1024x64xbf16> to vector<1024x64xf32>
    %sub3A_16 = arith.subf %sub3A, %convert_element_type3A_15 : vector<1024x64xf32>
    %convert_element_type3A_17 = arith.truncf %sub3A_16 : vector<1024x64xf32> to vector<1024x64xbf16>
    %convert_element_type3A_18 = arith.extf %convert_element_type3A : vector<1024x64xbf16> to vector<1024x64xf32>
    %mul3A_19 = arith.constant -2.000000e+00 : f32
    %mul3A_20 = vector.broadcast %mul3A_19 : f32 to vector<1024x64xf32>
    %mul3A_21 = arith.mulf %mul3A_20, %convert_element_type3A_18 : vector<1024x64xf32>
    %convert_element_type3A_22 = arith.truncf %mul3A_21 : vector<1024x64xf32> to vector<1024x64xbf16>
    %convert_element_type3A_23 = arith.extf %convert_element_type3A_14 : vector<1024x64xbf16> to vector<1024x64xf32>
    %mul3A_24 = arith.constant -2.000000e+00 : f32
    %mul3A_25 = vector.broadcast %mul3A_24 : f32 to vector<1024x64xf32>
    %mul3A_26 = arith.mulf %mul3A_25, %convert_element_type3A_23 : vector<1024x64xf32>
    %convert_element_type3A_27 = arith.truncf %mul3A_26 : vector<1024x64xf32> to vector<1024x64xbf16>
    %convert_element_type3A_28 = arith.extf %convert_element_type3A_17 : vector<1024x64xbf16> to vector<1024x64xf32>
    %mul3A_29 = arith.constant -2.000000e+00 : f32
    %mul3A_30 = vector.broadcast %mul3A_29 : f32 to vector<1024x64xf32>
    %mul3A_31 = arith.mulf %mul3A_30, %convert_element_type3A_28 : vector<1024x64xf32>
    %convert_element_type3A_32 = arith.truncf %mul3A_31 : vector<1024x64xf32> to vector<1024x64xbf16>
    %concatenate3A = tpu.concatenate %convert_element_type3A_22, %convert_element_type3A_27, %convert_element_type3A_32, %convert_element_type3A_22 in 1 : vector<1024x64xbf16>, vector<1024x64xbf16>, vector<1024x64xbf16>, vector<1024x64xbf16> -> vector<1024x256xbf16>
    %convert_element_type3A_33 = arith.truncf %broadcast_in_dim3A_12 : vector<1024x1xf32> to vector<1024x1xbf16>
    %convert_element_type3A_34 = arith.extf %convert_element_type3A_33 : vector<1024x1xbf16> to vector<1024x1xf32>
    %sub3A_35 = arith.subf %broadcast_in_dim3A_12, %convert_element_type3A_34 : vector<1024x1xf32>
    %convert_element_type3A_36 = arith.truncf %sub3A_35 : vector<1024x1xf32> to vector<1024x1xbf16>
    %convert_element_type3A_37 = arith.extf %convert_element_type3A_36 : vector<1024x1xbf16> to vector<1024x1xf32>
    %sub3A_38 = arith.subf %sub3A_35, %convert_element_type3A_37 : vector<1024x1xf32>
    %convert_element_type3A_39 = arith.truncf %sub3A_38 : vector<1024x1xf32> to vector<1024x1xbf16>
    %broadcast_in_dim3A_40 = arith.constant 1.000000e+00 : bf16
    %broadcast_in_dim3A_41 = vector.broadcast %broadcast_in_dim3A_40 : bf16 to vector<1024x3xbf16>
    %concatenate3A_42 = tpu.concatenate %convert_element_type3A_22, %convert_element_type3A_27, %convert_element_type3A_33, %convert_element_type3A_36, %convert_element_type3A_39, %broadcast_in_dim3A_41 in 1 : vector<1024x64xbf16>, vector<1024x64xbf16>, vector<1024x1xbf16>, vector<1024x1xbf16>, vector<1024x1xbf16>, vector<1024x3xbf16> -> vector<1024x134xbf16>
    %iota3A = tpu.iota {dimensions = array<i32: 0>} : vector<1024x196xi32>
    %get3A_43 = arith.constant 0 : index
    %get3A_44 = arith.constant 0 : index
    %get3A_45 = arith.constant 0 : index
    %get3A_46 = vector.load %arg0[%get3A_43, %get3A_44, %get3A_45] : memref<4x384x196xf32, #tpu.memory_space<vmem>>, vector<1x384x196xf32>
    %get3A_47 = vector.shape_cast %get3A_46 : vector<1x384x196xf32> to vector<384x196xf32>
    %dot_general3A = arith.constant dense<0.000000e+00> : vector<64x196xf32>
    %dot_general3A_48 = tpu.matmul %get3A_1, %get3A_47, %dot_general3A {dimension_numbers = #tpu.dot_dimension_numbers<[1], [0], [0], [1], [0, 0, 1, 1], [], []>, transpose_lhs_hint = false} : vector<64x384xf32>, vector<384x196xf32>, vector<64x196xf32> -> vector<64x196xf32>
    %mul3A_49 = arith.mulf %dot_general3A_48, %dot_general3A_48 : vector<64x196xf32>
    %reduce_sum3A_50 = arith.constant dense<0.000000e+00> : vector<196xf32>
    %reduce_sum3A_51 = vector.multi_reduction <add>, %mul3A_49, %reduce_sum3A_50 [0] : vector<64x196xf32> to vector<196xf32>
    %broadcast_in_dim3A_52 = vector.shape_cast %reduce_sum3A_51 : vector<196xf32> to vector<1x196xf32>
    %convert_element_type3A_53 = arith.truncf %dot_general3A_48 : vector<64x196xf32> to vector<64x196xbf16>
    %convert_element_type3A_54 = arith.extf %convert_element_type3A_53 : vector<64x196xbf16> to vector<64x196xf32>
    %sub3A_55 = arith.subf %dot_general3A_48, %convert_element_type3A_54 : vector<64x196xf32>
    %convert_element_type3A_56 = arith.truncf %sub3A_55 : vector<64x196xf32> to vector<64x196xbf16>
    %convert_element_type3A_57 = arith.extf %convert_element_type3A_56 : vector<64x196xbf16> to vector<64x196xf32>
    %sub3A_58 = arith.subf %sub3A_55, %convert_element_type3A_57 : vector<64x196xf32>
    %convert_element_type3A_59 = arith.truncf %sub3A_58 : vector<64x196xf32> to vector<64x196xbf16>
    %convert_element_type3A_60 = arith.truncf %broadcast_in_dim3A_52 : vector<1x196xf32> to vector<1x196xbf16>
    %convert_element_type3A_61 = arith.extf %convert_element_type3A_60 : vector<1x196xbf16> to vector<1x196xf32>
    %sub3A_62 = arith.subf %broadcast_in_dim3A_52, %convert_element_type3A_61 : vector<1x196xf32>
    %convert_element_type3A_63 = arith.truncf %sub3A_62 : vector<1x196xf32> to vector<1x196xbf16>
    %convert_element_type3A_64 = arith.extf %convert_element_type3A_63 : vector<1x196xbf16> to vector<1x196xf32>
    %sub3A_65 = arith.subf %sub3A_62, %convert_element_type3A_64 : vector<1x196xf32>
    %convert_element_type3A_66 = arith.truncf %sub3A_65 : vector<1x196xf32> to vector<1x196xbf16>
    %concatenate3A_67 = tpu.concatenate %convert_element_type3A_53, %convert_element_type3A_53, %convert_element_type3A_53, %convert_element_type3A_59 in 0 : vector<64x196xbf16>, vector<64x196xbf16>, vector<64x196xbf16>, vector<64x196xbf16> -> vector<256x196xbf16>
    %broadcast_in_dim3A_68 = arith.constant 1.000000e+00 : bf16
    %broadcast_in_dim3A_69 = vector.broadcast %broadcast_in_dim3A_68 : bf16 to vector<1x196xbf16>
    %concatenate3A_70 = tpu.concatenate %convert_element_type3A_56, %convert_element_type3A_56, %broadcast_in_dim3A_69, %broadcast_in_dim3A_69, %broadcast_in_dim3A_69, %convert_element_type3A_60, %convert_element_type3A_63, %convert_element_type3A_66 in 0 : vector<64x196xbf16>, vector<64x196xbf16>, vector<1x196xbf16>, vector<1x196xbf16>, vector<1x196xbf16>, vector<1x196xbf16>, vector<1x196xbf16>, vector<1x196xbf16> -> vector<134x196xbf16>
    %dot_general3A_71 = arith.constant dense<0.000000e+00> : vector<1024x196xf32>
    %dot_general3A_72 = tpu.matmul %concatenate3A, %concatenate3A_67, %dot_general3A_71 {dimension_numbers = #tpu.dot_dimension_numbers<[1], [0], [0], [1], [0, 0, 1, 1], [], []>, transpose_lhs_hint = false} : vector<1024x256xbf16>, vector<256x196xbf16>, vector<1024x196xf32> -> vector<1024x196xf32>
    %dot_general3A_73 = arith.constant dense<0.000000e+00> : vector<1024x196xf32>
    %dot_general3A_74 = tpu.matmul %concatenate3A_42, %concatenate3A_70, %dot_general3A_73 {dimension_numbers = #tpu.dot_dimension_numbers<[1], [0], [0], [1], [0, 0, 1, 1], [], []>, transpose_lhs_hint = false} : vector<1024x134xbf16>, vector<134x196xbf16>, vector<1024x196xf32> -> vector<1024x196xf32>
    %add3A = arith.addf %dot_general3A_72, %dot_general3A_74 : vector<1024x196xf32>
    %sqrt3A_75 = math.sqrt %broadcast_in_dim3A_52 : vector<1x196xf32>
    %add3A_76 = vector.broadcast %sqrt3A_75 : vector<1x196xf32> to vector<1024x196xf32>
    %add3A_77 = vector.broadcast %sqrt3A : vector<1024x1xf32> to vector<1024x196xf32>
    %add3A_78 = arith.addf %add3A_76, %add3A_77 : vector<1024x196xf32>
    %mul3A_79 = arith.mulf %add3A_78, %add3A_78 : vector<1024x196xf32>
    %div3A = arith.divf %add3A, %mul3A_79 : vector<1024x196xf32>
    %reduce_min3A = arith.constant dense<0x7F800000> : vector<196xf32>
    %reduce_min3A_80 = vector.multi_reduction <minimumf>, %div3A, %reduce_min3A [0] : vector<1024x196xf32> to vector<196xf32>
    %broadcast_in_dim3A_81 = vector.shape_cast %reduce_min3A_80 : vector<196xf32> to vector<1x196xf32>
    %eq3A = vector.broadcast %broadcast_in_dim3A_81 : vector<1x196xf32> to vector<1024x196xf32>
    %eq3A_82 = arith.cmpf oeq, %div3A, %eq3A : vector<1024x196xf32>
    %jit3A = arith.constant 1024 : i32
    %broadcast_in_dim3A_83 = vector.broadcast %jit3A : i32 to vector<1024x196xi32>
    %select_n3A = arith.select %eq3A_82, %iota3A, %broadcast_in_dim3A_83 : vector<1024x196xi1>, vector<1024x196xi32>
    %reduce_min3A_84 = arith.constant dense<2147483647> : vector<196xi32>
    %reduce_min3A_85 = vector.multi_reduction <minsi>, %select_n3A, %reduce_min3A_84 [0] : vector<1024x196xi32> to vector<196xi32>
    %broadcast_in_dim3A_86 = vector.shape_cast %reduce_min3A_85 : vector<196xi32> to vector<1x196xi32>
    %squeeze3A = vector.shape_cast %broadcast_in_dim3A_86 : vector<1x196xi32> to vector<196xi32>
    %swap3A_87 = arith.constant 0 : index
    %swap3A_88 = arith.constant 0 : index
    %swap3A_89 = vector.load %arg3[%swap3A_87, %swap3A_88] : memref<4x256xi32, #tpu.memory_space<vmem>>, vector<1x196xi32>
    %swap3A_90 = vector.shape_cast %swap3A_89 : vector<1x196xi32> to vector<196xi32>
    %swap3A_91 = vector.shape_cast %squeeze3A : vector<196xi32> to vector<1x196xi32>
    tpu.vector_store %arg3[%swap3A_87, %swap3A_88], %swap3A_91 {strides = array<i32>} : memref<4x256xi32, #tpu.memory_space<vmem>>, vector<1x196xi32>,
    %broadcast_in_dim3A_92 = arith.constant 0 : i32
    %broadcast_in_dim3A_93 = vector.broadcast %broadcast_in_dim3A_92 : i32 to vector<60xi32>
    %swap3A_94 = arith.constant 0 : index
    %swap3A_95 = arith.constant 196 : index
    %swap3A_96 = vector.load %arg3[%swap3A_94, %swap3A_95] : memref<4x256xi32, #tpu.memory_space<vmem>>, vector<1x60xi32>
    %swap3A_97 = vector.shape_cast %swap3A_96 : vector<1x60xi32> to vector<60xi32>
    %swap3A_98 = vector.shape_cast %broadcast_in_dim3A_93 : vector<60xi32> to vector<1x60xi32>
    tpu.vector_store %arg3[%swap3A_94, %swap3A_95], %swap3A_98 {strides = array<i32>} : memref<4x256xi32, #tpu.memory_space<vmem>>, vector<1x60xi32>,
    %get3A_99 = arith.constant 1 : index
    %get3A_100 = arith.constant 0 : index
    %get3A_101 = arith.constant 0 : index
    %get3A_102 = vector.load %arg0[%get3A_99, %get3A_100, %get3A_101] : memref<4x384x196xf32, #tpu.memory_space<vmem>>, vector<1x384x196xf32>
    %get3A_103 = vector.shape_cast %get3A_102 : vector<1x384x196xf32> to vector<384x196xf32>
    %dot_general3A_104 = arith.constant dense<0.000000e+00> : vector<64x196xf32>
    %dot_general3A_105 = tpu.matmul %get3A_1, %get3A_103, %dot_general3A_104 {dimension_numbers = #tpu.dot_dimension_numbers<[1], [0], [0], [1], [0, 0, 1, 1], [], []>, transpose_lhs_hint = false} : vector<64x384xf32>, vector<384x196xf32>, vector<64x196xf32> -> vector<64x196xf32>
    %mul3A_106 = arith.mulf %dot_general3A_105, %dot_general3A_105 : vector<64x196xf32>
    %reduce_sum3A_107 = arith.constant dense<0.000000e+00> : vector<196xf32>
    %reduce_sum3A_108 = vector.multi_reduction <add>, %mul3A_106, %reduce_sum3A_107 [0] : vector<64x196xf32> to vector<196xf32>
    %broadcast_in_dim3A_109 = vector.shape_cast %reduce_sum3A_108 : vector<196xf32> to vector<1x196xf32>
    %convert_element_type3A_110 = arith.truncf %dot_general3A_105 : vector<64x196xf32> to vector<64x196xbf16>
    %convert_element_type3A_111 = arith.extf %convert_element_type3A_110 : vector<64x196xbf16> to vector<64x196xf32>
    %sub3A_112 = arith.subf %dot_general3A_105, %convert_element_type3A_111 : vector<64x196xf32>
    %convert_element_type3A_113 = arith.truncf %sub3A_112 : vector<64x196xf32> to vector<64x196xbf16>
    %convert_element_type3A_114 = arith.extf %convert_element_type3A_113 : vector<64x196xbf16> to vector<64x196xf32>
    %sub3A_115 = arith.subf %sub3A_112, %convert_element_type3A_114 : vector<64x196xf32>
    %convert_element_type3A_116 = arith.truncf %sub3A_115 : vector<64x196xf32> to vector<64x196xbf16>
    %convert_element_type3A_117 = arith.truncf %broadcast_in_dim3A_109 : vector<1x196xf32> to vector<1x196xbf16>
    %convert_element_type3A_118 = arith.extf %convert_element_type3A_117 : vector<1x196xbf16> to vector<1x196xf32>
    %sub3A_119 = arith.subf %broadcast_in_dim3A_109, %convert_element_type3A_118 : vector<1x196xf32>
    %convert_element_type3A_120 = arith.truncf %sub3A_119 : vector<1x196xf32> to vector<1x196xbf16>
    %convert_element_type3A_121 = arith.extf %convert_element_type3A_120 : vector<1x196xbf16> to vector<1x196xf32>
    %sub3A_122 = arith.subf %sub3A_119, %convert_element_type3A_121 : vector<1x196xf32>
    %convert_element_type3A_123 = arith.truncf %sub3A_122 : vector<1x196xf32> to vector<1x196xbf16>
    %concatenate3A_124 = tpu.concatenate %convert_element_type3A_110, %convert_element_type3A_110, %convert_element_type3A_110, %convert_element_type3A_116 in 0 : vector<64x196xbf16>, vector<64x196xbf16>, vector<64x196xbf16>, vector<64x196xbf16> -> vector<256x196xbf16>
    %broadcast_in_dim3A_125 = arith.constant 1.000000e+00 : bf16
    %broadcast_in_dim3A_126 = vector.broadcast %broadcast_in_dim3A_125 : bf16 to vector<1x196xbf16>
    %concatenate3A_127 = tpu.concatenate %convert_element_type3A_113, %convert_element_type3A_113, %broadcast_in_dim3A_126, %broadcast_in_dim3A_126, %broadcast_in_dim3A_126, %convert_element_type3A_117, %convert_element_type3A_120, %convert_element_type3A_123 in 0 : vector<64x196xbf16>, vector<64x196xbf16>, vector<1x196xbf16>, vector<1x196xbf16>, vector<1x196xbf16>, vector<1x196xbf16>, vector<1x196xbf16>, vector<1x196xbf16> -> vector<134x196xbf16>
    %dot_general3A_128 = arith.constant dense<0.000000e+00> : vector<1024x196xf32>
    %dot_general3A_129 = tpu.matmul %concatenate3A, %concatenate3A_124, %dot_general3A_128 {dimension_numbers = #tpu.dot_dimension_numbers<[1], [0], [0], [1], [0, 0, 1, 1], [], []>, transpose_lhs_hint = false} : vector<1024x256xbf16>, vector<256x196xbf16>, vector<1024x196xf32> -> vector<1024x196xf32>
    %dot_general3A_130 = arith.constant dense<0.000000e+00> : vector<1024x196xf32>
    %dot_general3A_131 = tpu.matmul %concatenate3A_42, %concatenate3A_127, %dot_general3A_130 {dimension_numbers = #tpu.dot_dimension_numbers<[1], [0], [0], [1], [0, 0, 1, 1], [], []>, transpose_lhs_hint = false} : vector<1024x134xbf16>, vector<134x196xbf16>, vector<1024x196xf32> -> vector<1024x196xf32>
    %add3A_132 = arith.addf %dot_general3A_129, %dot_general3A_131 : vector<1024x196xf32>
    %sqrt3A_133 = math.sqrt %broadcast_in_dim3A_109 : vector<1x196xf32>
    %add3A_134 = vector.broadcast %sqrt3A_133 : vector<1x196xf32> to vector<1024x196xf32>
    %add3A_135 = vector.broadcast %sqrt3A : vector<1024x1xf32> to vector<1024x196xf32>
    %add3A_136 = arith.addf %add3A_134, %add3A_135 : vector<1024x196xf32>
    %mul3A_137 = arith.mulf %add3A_136, %add3A_136 : vector<1024x196xf32>
    %div3A_138 = arith.divf %add3A_132, %mul3A_137 : vector<1024x196xf32>
    %reduce_min3A_139 = arith.constant dense<0x7F800000> : vector<196xf32>
    %reduce_min3A_140 = vector.multi_reduction <minimumf>, %div3A_138, %reduce_min3A_139 [0] : vector<1024x196xf32> to vector<196xf32>
    %broadcast_in_dim3A_141 = vector.shape_cast %reduce_min3A_140 : vector<196xf32> to vector<1x196xf32>
    %eq3A_142 = vector.broadcast %broadcast_in_dim3A_141 : vector<1x196xf32> to vector<1024x196xf32>
    %eq3A_143 = arith.cmpf oeq, %div3A_138, %eq3A_142 : vector<1024x196xf32>
    %jit3A_144 = arith.constant 1024 : i32
    %broadcast_in_dim3A_145 = vector.broadcast %jit3A_144 : i32 to vector<1024x196xi32>
    %select_n3A_146 = arith.select %eq3A_143, %iota3A, %broadcast_in_dim3A_145 : vector<1024x196xi1>, vector<1024x196xi32>
    %reduce_min3A_147 = arith.constant dense<2147483647> : vector<196xi32>
    %reduce_min3A_148 = vector.multi_reduction <minsi>, %select_n3A_146, %reduce_min3A_147 [0] : vector<1024x196xi32> to vector<196xi32>
    %broadcast_in_dim3A_149 = vector.shape_cast %reduce_min3A_148 : vector<196xi32> to vector<1x196xi32>
    %squeeze3A_150 = vector.shape_cast %broadcast_in_dim3A_149 : vector<1x196xi32> to vector<196xi32>
    %swap3A_151 = arith.constant 1 : index
    %swap3A_152 = arith.constant 0 : index
    %swap3A_153 = vector.load %arg3[%swap3A_151, %swap3A_152] : memref<4x256xi32, #tpu.memory_space<vmem>>, vector<1x196xi32>
    %swap3A_154 = vector.shape_cast %swap3A_153 : vector<1x196xi32> to vector<196xi32>
    %swap3A_155 = vector.shape_cast %squeeze3A_150 : vector<196xi32> to vector<1x196xi32>
    tpu.vector_store %arg3[%swap3A_151, %swap3A_152], %swap3A_155 {strides = array<i32>} : memref<4x256xi32, #tpu.memory_space<vmem>>, vector<1x196xi32>,
    %broadcast_in_dim3A_156 = arith.constant 0 : i32
    %broadcast_in_dim3A_157 = vector.broadcast %broadcast_in_dim3A_156 : i32 to vector<60xi32>
    %swap3A_158 = arith.constant 1 : index
    %swap3A_159 = arith.constant 196 : index
    %swap3A_160 = vector.load %arg3[%swap3A_158, %swap3A_159] : memref<4x256xi32, #tpu.memory_space<vmem>>, vector<1x60xi32>
    %swap3A_161 = vector.shape_cast %swap3A_160 : vector<1x60xi32> to vector<60xi32>
    %swap3A_162 = vector.shape_cast %broadcast_in_dim3A_157 : vector<60xi32> to vector<1x60xi32>
    tpu.vector_store %arg3[%swap3A_158, %swap3A_159], %swap3A_162 {strides = array<i32>} : memref<4x256xi32, #tpu.memory_space<vmem>>, vector<1x60xi32>,
    %get3A_163 = arith.constant 2 : index
    %get3A_164 = arith.constant 0 : index
    %get3A_165 = arith.constant 0 : index
    %get3A_166 = vector.load %arg0[%get3A_163, %get3A_164, %get3A_165] : memref<4x384x196xf32, #tpu.memory_space<vmem>>, vector<1x384x196xf32>
    %get3A_167 = vector.shape_cast %get3A_166 : vector<1x384x196xf32> to vector<384x196xf32>
    %dot_general3A_168 = arith.constant dense<0.000000e+00> : vector<64x196xf32>
    %dot_general3A_169 = tpu.matmul %get3A_1, %get3A_167, %dot_general3A_168 {dimension_numbers = #tpu.dot_dimension_numbers<[1], [0], [0], [1], [0, 0, 1, 1], [], []>, transpose_lhs_hint = false} : vector<64x384xf32>, vector<384x196xf32>, vector<64x196xf32> -> vector<64x196xf32>
    %mul3A_170 = arith.mulf %dot_general3A_169, %dot_general3A_169 : vector<64x196xf32>
    %reduce_sum3A_171 = arith.constant dense<0.000000e+00> : vector<196xf32>
    %reduce_sum3A_172 = vector.multi_reduction <add>, %mul3A_170, %reduce_sum3A_171 [0] : vector<64x196xf32> to vector<196xf32>
    %broadcast_in_dim3A_173 = vector.shape_cast %reduce_sum3A_172 : vector<196xf32> to vector<1x196xf32>
    %convert_element_type3A_174 = arith.truncf %dot_general3A_169 : vector<64x196xf32> to vector<64x196xbf16>
    %convert_element_type3A_175 = arith.extf %convert_element_type3A_174 : vector<64x196xbf16> to vector<64x196xf32>
    %sub3A_176 = arith.subf %dot_general3A_169, %convert_element_type3A_175 : vector<64x196xf32>
    %convert_element_type3A_177 = arith.truncf %sub3A_176 : vector<64x196xf32> to vector<64x196xbf16>
    %convert_element_type3A_178 = arith.extf %convert_element_type3A_177 : vector<64x196xbf16> to vector<64x196xf32>
    %sub3A_179 = arith.subf %sub3A_176, %convert_element_type3A_178 : vector<64x196xf32>
    %convert_element_type3A_180 = arith.truncf %sub3A_179 : vector<64x196xf32> to vector<64x196xbf16>
    %convert_element_type3A_181 = arith.truncf %broadcast_in_dim3A_173 : vector<1x196xf32> to vector<1x196xbf16>
    %convert_element_type3A_182 = arith.extf %convert_element_type3A_181 : vector<1x196xbf16> to vector<1x196xf32>
    %sub3A_183 = arith.subf %broadcast_in_dim3A_173, %convert_element_type3A_182 : vector<1x196xf32>
    %convert_element_type3A_184 = arith.truncf %sub3A_183 : vector<1x196xf32> to vector<1x196xbf16>
    %convert_element_type3A_185 = arith.extf %convert_element_type3A_184 : vector<1x196xbf16> to vector<1x196xf32>
    %sub3A_186 = arith.subf %sub3A_183, %convert_element_type3A_185 : vector<1x196xf32>
    %convert_element_type3A_187 = arith.truncf %sub3A_186 : vector<1x196xf32> to vector<1x196xbf16>
    %concatenate3A_188 = tpu.concatenate %convert_element_type3A_174, %convert_element_type3A_174, %convert_element_type3A_174, %convert_element_type3A_180 in 0 : vector<64x196xbf16>, vector<64x196xbf16>, vector<64x196xbf16>, vector<64x196xbf16> -> vector<256x196xbf16>
    %broadcast_in_dim3A_189 = arith.constant 1.000000e+00 : bf16
    %broadcast_in_dim3A_190 = vector.broadcast %broadcast_in_dim3A_189 : bf16 to vector<1x196xbf16>
    %concatenate3A_191 = tpu.concatenate %convert_element_type3A_177, %convert_element_type3A_177, %broadcast_in_dim3A_190, %broadcast_in_dim3A_190, %broadcast_in_dim3A_190, %convert_element_type3A_181, %convert_element_type3A_184, %convert_element_type3A_187 in 0 : vector<64x196xbf16>, vector<64x196xbf16>, vector<1x196xbf16>, vector<1x196xbf16>, vector<1x196xbf16>, vector<1x196xbf16>, vector<1x196xbf16>, vector<1x196xbf16> -> vector<134x196xbf16>
    %dot_general3A_192 = arith.constant dense<0.000000e+00> : vector<1024x196xf32>
    %dot_general3A_193 = tpu.matmul %concatenate3A, %concatenate3A_188, %dot_general3A_192 {dimension_numbers = #tpu.dot_dimension_numbers<[1], [0], [0], [1], [0, 0, 1, 1], [], []>, transpose_lhs_hint = false} : vector<1024x256xbf16>, vector<256x196xbf16>, vector<1024x196xf32> -> vector<1024x196xf32>
    %dot_general3A_194 = arith.constant dense<0.000000e+00> : vector<1024x196xf32>
    %dot_general3A_195 = tpu.matmul %concatenate3A_42, %concatenate3A_191, %dot_general3A_194 {dimension_numbers = #tpu.dot_dimension_numbers<[1], [0], [0], [1], [0, 0, 1, 1], [], []>, transpose_lhs_hint = false} : vector<1024x134xbf16>, vector<134x196xbf16>, vector<1024x196xf32> -> vector<1024x196xf32>
    %add3A_196 = arith.addf %dot_general3A_193, %dot_general3A_195 : vector<1024x196xf32>
    %sqrt3A_197 = math.sqrt %broadcast_in_dim3A_173 : vector<1x196xf32>
    %add3A_198 = vector.broadcast %sqrt3A_197 : vector<1x196xf32> to vector<1024x196xf32>
    %add3A_199 = vector.broadcast %sqrt3A : vector<1024x1xf32> to vector<1024x196xf32>
    %add3A_200 = arith.addf %add3A_198, %add3A_199 : vector<1024x196xf32>
    %mul3A_201 = arith.mulf %add3A_200, %add3A_200 : vector<1024x196xf32>
    %div3A_202 = arith.divf %add3A_196, %mul3A_201 : vector<1024x196xf32>
    %reduce_min3A_203 = arith.constant dense<0x7F800000> : vector<196xf32>
    %reduce_min3A_204 = vector.multi_reduction <minimumf>, %div3A_202, %reduce_min3A_203 [0] : vector<1024x196xf32> to vector<196xf32>
    %broadcast_in_dim3A_205 = vector.shape_cast %reduce_min3A_204 : vector<196xf32> to vector<1x196xf32>
    %eq3A_206 = vector.broadcast %broadcast_in_dim3A_205 : vector<1x196xf32> to vector<1024x196xf32>
    %eq3A_207 = arith.cmpf oeq, %div3A_202, %eq3A_206 : vector<1024x196xf32>
    %jit3A_208 = arith.constant 1024 : i32
    %broadcast_in_dim3A_209 = vector.broadcast %jit3A_208 : i32 to vector<1024x196xi32>
    %select_n3A_210 = arith.select %eq3A_207, %iota3A, %broadcast_in_dim3A_209 : vector<1024x196xi1>, vector<1024x196xi32>
    %reduce_min3A_211 = arith.constant dense<2147483647> : vector<196xi32>
    %reduce_min3A_212 = vector.multi_reduction <minsi>, %select_n3A_210, %reduce_min3A_211 [0] : vector<1024x196xi32> to vector<196xi32>
    %broadcast_in_dim3A_213 = vector.shape_cast %reduce_min3A_212 : vector<196xi32> to vector<1x196xi32>
    %squeeze3A_214 = vector.shape_cast %broadcast_in_dim3A_213 : vector<1x196xi32> to vector<196xi32>
    %swap3A_215 = arith.constant 2 : index
    %swap3A_216 = arith.constant 0 : index
    %swap3A_217 = vector.load %arg3[%swap3A_215, %swap3A_216] : memref<4x256xi32, #tpu.memory_space<vmem>>, vector<1x196xi32>
    %swap3A_218 = vector.shape_cast %swap3A_217 : vector<1x196xi32> to vector<196xi32>
    %swap3A_219 = vector.shape_cast %squeeze3A_214 : vector<196xi32> to vector<1x196xi32>
    tpu.vector_store %arg3[%swap3A_215, %swap3A_216], %swap3A_219 {strides = array<i32>} : memref<4x256xi32, #tpu.memory_space<vmem>>, vector<1x196xi32>,
    %broadcast_in_dim3A_220 = arith.constant 0 : i32
    %broadcast_in_dim3A_221 = vector.broadcast %broadcast_in_dim3A_220 : i32 to vector<60xi32>
    %swap3A_222 = arith.constant 2 : index
    %swap3A_223 = arith.constant 196 : index
    %swap3A_224 = vector.load %arg3[%swap3A_222, %swap3A_223] : memref<4x256xi32, #tpu.memory_space<vmem>>, vector<1x60xi32>
    %swap3A_225 = vector.shape_cast %swap3A_224 : vector<1x60xi32> to vector<60xi32>
    %swap3A_226 = vector.shape_cast %broadcast_in_dim3A_221 : vector<60xi32> to vector<1x60xi32>
    tpu.vector_store %arg3[%swap3A_222, %swap3A_223], %swap3A_226 {strides = array<i32>} : memref<4x256xi32, #tpu.memory_space<vmem>>, vector<1x60xi32>,
    %get3A_227 = arith.constant 3 : index
    %get3A_228 = arith.constant 0 : index
    %get3A_229 = arith.constant 0 : index
    %get3A_230 = vector.load %arg0[%get3A_227, %get3A_228, %get3A_229] : memref<4x384x196xf32, #tpu.memory_space<vmem>>, vector<1x384x196xf32>
    %get3A_231 = vector.shape_cast %get3A_230 : vector<1x384x196xf32> to vector<384x196xf32>
    %dot_general3A_232 = arith.constant dense<0.000000e+00> : vector<64x196xf32>
    %dot_general3A_233 = tpu.matmul %get3A_1, %get3A_231, %dot_general3A_232 {dimension_numbers = #tpu.dot_dimension_numbers<[1], [0], [0], [1], [0, 0, 1, 1], [], []>, transpose_lhs_hint = false} : vector<64x384xf32>, vector<384x196xf32>, vector<64x196xf32> -> vector<64x196xf32>
    %mul3A_234 = arith.mulf %dot_general3A_233, %dot_general3A_233 : vector<64x196xf32>
    %reduce_sum3A_235 = arith.constant dense<0.000000e+00> : vector<196xf32>
    %reduce_sum3A_236 = vector.multi_reduction <add>, %mul3A_234, %reduce_sum3A_235 [0] : vector<64x196xf32> to vector<196xf32>
    %broadcast_in_dim3A_237 = vector.shape_cast %reduce_sum3A_236 : vector<196xf32> to vector<1x196xf32>
    %convert_element_type3A_238 = arith.truncf %dot_general3A_233 : vector<64x196xf32> to vector<64x196xbf16>
    %convert_element_type3A_239 = arith.extf %convert_element_type3A_238 : vector<64x196xbf16> to vector<64x196xf32>
    %sub3A_240 = arith.subf %dot_general3A_233, %convert_element_type3A_239 : vector<64x196xf32>
    %convert_element_type3A_241 = arith.truncf %sub3A_240 : vector<64x196xf32> to vector<64x196xbf16>
    %convert_element_type3A_242 = arith.extf %convert_element_type3A_241 : vector<64x196xbf16> to vector<64x196xf32>
    %sub3A_243 = arith.subf %sub3A_240, %convert_element_type3A_242 : vector<64x196xf32>
    %convert_element_type3A_244 = arith.truncf %sub3A_243 : vector<64x196xf32> to vector<64x196xbf16>
    %convert_element_type3A_245 = arith.truncf %broadcast_in_dim3A_237 : vector<1x196xf32> to vector<1x196xbf16>
    %convert_element_type3A_246 = arith.extf %convert_element_type3A_245 : vector<1x196xbf16> to vector<1x196xf32>
    %sub3A_247 = arith.subf %broadcast_in_dim3A_237, %convert_element_type3A_246 : vector<1x196xf32>
    %convert_element_type3A_248 = arith.truncf %sub3A_247 : vector<1x196xf32> to vector<1x196xbf16>
    %convert_element_type3A_249 = arith.extf %convert_element_type3A_248 : vector<1x196xbf16> to vector<1x196xf32>
    %sub3A_250 = arith.subf %sub3A_247, %convert_element_type3A_249 : vector<1x196xf32>
    %convert_element_type3A_251 = arith.truncf %sub3A_250 : vector<1x196xf32> to vector<1x196xbf16>
    %concatenate3A_252 = tpu.concatenate %convert_element_type3A_238, %convert_element_type3A_238, %convert_element_type3A_238, %convert_element_type3A_244 in 0 : vector<64x196xbf16>, vector<64x196xbf16>, vector<64x196xbf16>, vector<64x196xbf16> -> vector<256x196xbf16>
    %broadcast_in_dim3A_253 = arith.constant 1.000000e+00 : bf16
    %broadcast_in_dim3A_254 = vector.broadcast %broadcast_in_dim3A_253 : bf16 to vector<1x196xbf16>
    %concatenate3A_255 = tpu.concatenate %convert_element_type3A_241, %convert_element_type3A_241, %broadcast_in_dim3A_254, %broadcast_in_dim3A_254, %broadcast_in_dim3A_254, %convert_element_type3A_245, %convert_element_type3A_248, %convert_element_type3A_251 in 0 : vector<64x196xbf16>, vector<64x196xbf16>, vector<1x196xbf16>, vector<1x196xbf16>, vector<1x196xbf16>, vector<1x196xbf16>, vector<1x196xbf16>, vector<1x196xbf16> -> vector<134x196xbf16>
    %dot_general3A_256 = arith.constant dense<0.000000e+00> : vector<1024x196xf32>
    %dot_general3A_257 = tpu.matmul %concatenate3A, %concatenate3A_252, %dot_general3A_256 {dimension_numbers = #tpu.dot_dimension_numbers<[1], [0], [0], [1], [0, 0, 1, 1], [], []>, transpose_lhs_hint = false} : vector<1024x256xbf16>, vector<256x196xbf16>, vector<1024x196xf32> -> vector<1024x196xf32>
    %dot_general3A_258 = arith.constant dense<0.000000e+00> : vector<1024x196xf32>
    %dot_general3A_259 = tpu.matmul %concatenate3A_42, %concatenate3A_255, %dot_general3A_258 {dimension_numbers = #tpu.dot_dimension_numbers<[1], [0], [0], [1], [0, 0, 1, 1], [], []>, transpose_lhs_hint = false} : vector<1024x134xbf16>, vector<134x196xbf16>, vector<1024x196xf32> -> vector<1024x196xf32>
    %add3A_260 = arith.addf %dot_general3A_257, %dot_general3A_259 : vector<1024x196xf32>
    %sqrt3A_261 = math.sqrt %broadcast_in_dim3A_237 : vector<1x196xf32>
    %add3A_262 = vector.broadcast %sqrt3A_261 : vector<1x196xf32> to vector<1024x196xf32>
    %add3A_263 = vector.broadcast %sqrt3A : vector<1024x1xf32> to vector<1024x196xf32>
    %add3A_264 = arith.addf %add3A_262, %add3A_263 : vector<1024x196xf32>
    %mul3A_265 = arith.mulf %add3A_264, %add3A_264 : vector<1024x196xf32>
    %div3A_266 = arith.divf %add3A_260, %mul3A_265 : vector<1024x196xf32>
    %reduce_min3A_267 = arith.constant dense<0x7F800000> : vector<196xf32>
    %reduce_min3A_268 = vector.multi_reduction <minimumf>, %div3A_266, %reduce_min3A_267 [0] : vector<1024x196xf32> to vector<196xf32>
    %broadcast_in_dim3A_269 = vector.shape_cast %reduce_min3A_268 : vector<196xf32> to vector<1x196xf32>
    %eq3A_270 = vector.broadcast %broadcast_in_dim3A_269 : vector<1x196xf32> to vector<1024x196xf32>
    %eq3A_271 = arith.cmpf oeq, %div3A_266, %eq3A_270 : vector<1024x196xf32>
    %jit3A_272 = arith.constant 1024 : i32
    %broadcast_in_dim3A_273 = vector.broadcast %jit3A_272 : i32 to vector<1024x196xi32>
    %select_n3A_274 = arith.select %eq3A_271, %iota3A, %broadcast_in_dim3A_273 : vector<1024x196xi1>, vector<1024x196xi32>
    %reduce_min3A_275 = arith.constant dense<2147483647> : vector<196xi32>
    %reduce_min3A_276 = vector.multi_reduction <minsi>, %select_n3A_274, %reduce_min3A_275 [0] : vector<1024x196xi32> to vector<196xi32>
    %broadcast_in_dim3A_277 = vector.shape_cast %reduce_min3A_276 : vector<196xi32> to vector<1x196xi32>
    %squeeze3A_278 = vector.shape_cast %broadcast_in_dim3A_277 : vector<1x196xi32> to vector<196xi32>
    %swap3A_279 = arith.constant 3 : index
    %swap3A_280 = arith.constant 0 : index
    %swap3A_281 = vector.load %arg3[%swap3A_279, %swap3A_280] : memref<4x256xi32, #tpu.memory_space<vmem>>, vector<1x196xi32>
    %swap3A_282 = vector.shape_cast %swap3A_281 : vector<1x196xi32> to vector<196xi32>
    %swap3A_283 = vector.shape_cast %squeeze3A_278 : vector<196xi32> to vector<1x196xi32>
    tpu.vector_store %arg3[%swap3A_279, %swap3A_280], %swap3A_283 {strides = array<i32>} : memref<4x256xi32, #tpu.memory_space<vmem>>, vector<1x196xi32>,
    %broadcast_in_dim3A_284 = arith.constant 0 : i32
    %broadcast_in_dim3A_285 = vector.broadcast %broadcast_in_dim3A_284 : i32 to vector<60xi32>
    %swap3A_286 = arith.constant 3 : index
    %swap3A_287 = arith.constant 196 : index
    %swap3A_288 = vector.load %arg3[%swap3A_286, %swap3A_287] : memref<4x256xi32, #tpu.memory_space<vmem>>, vector<1x60xi32>
    %swap3A_289 = vector.shape_cast %swap3A_288 : vector<1x60xi32> to vector<60xi32>
    %swap3A_290 = vector.shape_cast %broadcast_in_dim3A_285 : vector<60xi32> to vector<1x60xi32>
    tpu.vector_store %arg3[%swap3A_286, %swap3A_287], %swap3A_290 {strides = array<i32>} : memref<4x256xi32, #tpu.memory_space<vmem>>, vector<1x60xi32>,
    return
  }
}

</mosaic_0001>

<sc_bundles>
// kernel: kernel.4.cloned.1.call-start
scs
__scs_entry_jumppad:
0x0: {  	(pc) =	sbr.rel $0x88, $3  }
0x1: {  	(tag) =	ssettag $0x0;
	lr =	simm.s32 $0x1  }
0x2: {  	[smem:$0x3F9E] =	sst lr;
	_ =	strace $0xD0000000  }
0x3: {  	_ = 	snop  }
0x4: {  	_ = 	snop  }
0x5: {  	_ = 	snop  }
0x6: {  	_ = 	snop  }
0x7: {  	_ = 	snop  }
__scs_overlays_trampoline_lowered:
0x8: {  	[smem:$0x3FAD] =	sst s0  }
0x9: {  	[smem:$0x3FAE] =	sst s1  }
0xa: {  	[smem:$0x3FAF] =	sst s2  }
0xb: {  	[smem:$0x3FB0] =	sst s3  }
0xc: {  	[smem:$0x3FB1] =	sst s4  }
0xd: {  	[smem:$0x3FB2] =	sst s5  }
0xe: {  	[smem:$0x3FB3] =	sst s6  }
0xf: {  	[smem:$0x3FB4] =	sst s7  }
0x10: {  	[smem:$0x3FB5] =	sst s8  }
0x11: {  	[smem:$0x3FB6] =	sst s9;
	s0 =	simm.s32 @!p0 $0x0  }
0x12: {  	s1 =	sld [smem:$0x3F9C];
	s0 =	simm.s32 @p0 $0x1  }
0x13: {  	[smem:$0x3FB7] =	sst s0;
	s0 =	simm.s32 @!p1 $0x0  }
0x14: {  	s2 =	sld [smem:$0x3F9B];
	s0 =	simm.s32 @p1 $0x1  }
0x15: {  	[smem:$0x3FB8] =	sst s0;
	s0 =	simm.s32 @!p2 $0x0  }
0x16: {  	s3 =	sld [smem:$0x3FDB];
	s0 =	simm.s32 @p2 $0x1  }
0x17: {  	s4 =	simm.s32 $0x1BF5;
	[smem:$0x3FBA] =	sst s0  }
0x18: {  	s0 =	sld [smem:$0x3F9D];
	_ =	swait.ge [sflag:s4], $0x0  }
0x19: {  	s7 =	sld [smem:$0x3F9E]  }
0x1a: {  	s8 =	sadd.s32 $0xFFFFE003, lr  }
0x1b: {  	s9 =	sadd.s32 $0xFFFFFEF7, lr;
	s5 =	simm.s32 $0xFFFFFFFF;
	p2 =	slt.u32 s8, $0xFFFFF086  }
0x1c: {  	p1 =	slt.u32 s9, $0xF7A;
	s5 =	simm.s32 @!p2 $0x0  }
0x1d: {  	s5 =	simm.s32 @p1 $0x1;
	p0 =	seq.s32 s7, s2  }
0x1e: {  	s7 =	smul.u32 @!p0 $0xF7A, s2;
	p2 =	seq.s32 @!p0 s5, $0x0  }
0x1f: {  	s9 =	smul.u32 $0xF7A, s1;
	s8 =	simm.s32 @!p0 $0x1BF5;
	p2 =	por !p2, p0  }
0x20: {  	[sflag:s8] =	ssyncset.s32 @!p0 $0xFFFFF086;
	s6 =	sadd.s32 @!p0 s3, s7;
	s7 =	simm.s32 @!p0 $0x108  }
0x21: {  	s3 =	sadd.s32 s3, s9;
	s6 =	sadd.s32 @!p0 $0x88, s6;
	s7 =	simm.s32 @p2 $0x1082  }
0x22: {  	[simem:s7], [sflag:s8] =	dma.local @!p0 [hbm:s6], $0xF7A  }
0x23: {  	s9 =	sor.u32 $0xD0000000, s2;
	s6 =	simm.s32 $0x108;
	_ =	swait.ge @!p0 [sflag:s8], $0x0  }
0x24: {  	s3 =	sadd.s32 $0x88, s3;
	s6 =	simm.s32 @!p1 $0x1082;
	[sflag:s4] =	ssyncset.s32 $0xFFFFF086  }
0x25: {  	[simem:s6], [sflag:s4] =	dma.local [hbm:s3], $0xF7A  }
0x26: {  	[smem:$0x3F9E] =	sst s1;
	(tag) =	ssettag s2;
	_ =	strace s9  }
0x27: {  	s1 =	sld [smem:$0x3FAE]  }
0x28: {  	s2 =	sld [smem:$0x3FAF]  }
0x29: {  	s4 =	sld [smem:$0x3FB1]  }
0x2a: {  	p0 =	seq.s32 s5, $0x0;
	s5 =	sld [smem:$0x3FB2]  }
0x2b: {  	s6 =	sld [smem:$0x3FB3]  }
0x2c: {  	s7 =	sld [smem:$0x3FB4]  }
0x2d: {  	s3 =	simm.s32 $0x108;
	s8 =	sld [smem:$0x3FB5]  }
0x2e: {  	s3 =	simm.s32 @!p0 $0x1082;
	s9 =	sld [smem:$0x3FB6]  }
0x2f: {  	lr =	sadd.s32 s0, s3;
	s0 =	sld [smem:$0x3FAD]  }
0x30: {  	s3 =	sld [smem:$0x3FB0]  }
0x31: {  	[smem:$0x3FB9] =	sst s10  }
0x32: {  	s10 =	sld [smem:$0x3FB7];
	_ =	sdelay $0x3  }
0x33: {  	p0 =	seq.s32 s10, $0x1;
	s10 =	sld [smem:$0x3FB9];
	_ =	sdelay $0x3  }
0x34: {  	[smem:$0x3FB9] =	sst s10  }
0x35: {  	s10 =	sld [smem:$0x3FB8];
	_ =	sdelay $0x3  }
0x36: {  	p1 =	seq.s32 s10, $0x1;
	s10 =	sld [smem:$0x3FB9];
	_ =	sdelay $0x3  }
0x37: {  	[smem:$0x3FB9] =	sst s10  }
0x38: {  	s10 =	sld [smem:$0x3FBA]  }
0x39: {  	_ = 	snop;
	(pc) =	sbr.ind lr, $3  }
0x3a: {  	_ = 	snop  }
0x3b: {  	_ = 	snop  }
0x3c: {  	p2 =	seq.s32 s10, $0x1;
	s10 =	sld [smem:$0x3FB9]  }
0x3d: {  	_ =	shalt  }
0x3e: {  	_ =	shalt  }
0x3f: {  	_ =	shalt  }
0x40: {  	_ =	shalt  }
0x41: {  	_ =	shalt  }
0x42: {  	_ =	shalt  }
0x43: {  	_ =	shalt  }
0x44: {  	_ =	shalt  }
0x45: {  	_ =	shalt  }
0x46: {  	_ =	shalt  }
0x47: {  	_ =	shalt  }
0x48: {  	_ =	shalt  }
0x49: {  	_ =	shalt  }
0x4a: {  	_ =	shalt  }
0x4b: {  	_ =	shalt  }
0x4c: {  	_ =	shalt  }
0x4d: {  	_ =	shalt  }
0x4e: {  	_ =	shalt  }
0x4f: {  	_ =	shalt  }
0x50: {  	_ =	shalt  }
0x51: {  	_ =	shalt  }
0x52: {  	_ =	shalt  }
0x53: {  	_ =	shalt  }
0x54: {  	_ =	shalt  }
0x55: {  	_ =	shalt  }
0x56: {  	_ =	shalt  }
0x57: {  	_ =	shalt  }
0x58: {  	_ =	shalt  }
0x59: {  	_ =	shalt  }
0x5a: {  	_ =	shalt  }
0x5b: {  	_ =	shalt  }
0x5c: {  	_ =	shalt  }
0x5d: {  	_ =	shalt  }
0x5e: {  	_ =	shalt  }
0x5f: {  	_ =	shalt  }
0x60: {  	_ =	shalt  }
0x61: {  	_ =	shalt  }
0x62: {  	_ =	shalt  }
0x63: {  	_ =	shalt  }
0x64: {  	_ =	shalt  }
0x65: {  	_ =	shalt  }
0x66: {  	_ =	shalt  }
0x67: {  	_ =	shalt  }
0x68: {  	_ =	shalt  }
0x69: {  	_ =	shalt  }
0x6a: {  	_ =	shalt  }
0x6b: {  	_ =	shalt  }
0x6c: {  	_ =	shalt  }
0x6d: {  	_ =	shalt  }
0x6e: {  	_ =	shalt  }
0x6f: {  	_ =	shalt  }
0x70: {  	_ =	shalt  }
0x71: {  	_ =	shalt  }
0x72: {  	_ =	shalt  }
0x73: {  	_ =	shalt  }
0x74: {  	_ =	shalt  }
0x75: {  	_ =	shalt  }
0x76: {  	_ =	shalt  }
0x77: {  	_ =	shalt  }
0x78: {  	_ =	shalt  }
0x79: {  	_ =	shalt  }
0x7a: {  	_ =	shalt  }
0x7b: {  	_ =	shalt  }
0x7c: {  	_ =	shalt  }
0x7d: {  	_ =	shalt  }
0x7e: {  	_ =	shalt  }
0x7f: {  	_ =	shalt  }
0x80: {  	_ =	shalt  }
0x81: {  	_ =	shalt  }
0x82: {  	_ =	shalt  }
0x83: {  	_ =	shalt  }
0x84: {  	_ =	shalt  }
0x85: {  	_ =	shalt  }
0x86: {  	_ =	shalt  }
0x87: {  	_ =	shalt  }
.Lfunc_end0:
.L_simem_size_0:
called_computation_lowered:
.L_overlay_start_0:
0x88: {  	s2 =	sld [smem:$0x3FD9]  }
0x89: {  	s3 =	sld [smem:$0x3FFE];
	_ =	sdelay $0x1  }
0x8a: {  	s1 =	srdreg.scid  }
0x8b: {  	s0 =	sand.u32 $0x1, s1  }
0x8c: {  	s17 =	sshll.u32 s0, $0xA;
	s2 =	sadd.s32 s3, s2  }
0x8d: {  	s2 =	sadd.s32 s2, s17  }
0x8e: {  	[smem:$0x3FC5] =	sst s2  }
0x8f: {  	_ = 	snop  }
0x90: {  	s2 =	sld [smem:$0x3FD0];
	(tm) =	ssettm $0x1  }
0x91: {  	s18 =	sld [smem:$0x3FFB];
	_ =	sdelay $0x3  }
0x92: {  	_ =	strace s18  }
0x93: {  	s3 =	sld [smem:$0x3FFC];
	_ =	sdelay $0x3  }
0x94: {  	_ =	strace s3  }
0x95: {  	s3 =	sld [smem:$0x3FFD];
	_ =	sdelay $0x3  }
0x96: {  	_ =	strace s3  }
0x97: {  	_ =	strace $0x8FFFFFFF  }
0x98: {  	s19 =	sld [smem:$0x3FDB];
	_ =	sdelay $0x1  }
0x99: {  	s4 =	simm.s32 $_scs_section_size  }
0x9a: {  	s5 =	simm.s32 $_size__tile_overlayer_lowered;
	s6 =	simm.s32 $_tile_overlayer_lowered  }
0x9b: {  	s22 =	simm.s32 $0x1BFF;
	s21 =	sshll.u32 s6, $0x1;
	s3 =	sadd.s32 s4, s19  }
0x9c: {  	s7 =	simm.s32 $0x0;
	s20 =	sshll.u32 s5, $0x1;
	s5 =	sadd.s32 s21, s3  }
0x9d: {  	[timem:s7], [sflag:s22] =	dma.local [hbm:s5], s20  }
0x9e: {  	_ =	swait.ge [sflag:s22], s20  }
0x9f: {  	s4 =	ssub.s32 $0x0, s20;
	[sflag:s22] =	ssyncset.done $0x0  }
0xa0: {  	[sflag:s22] =	ssyncadd.s32 s4;
	_ =	sdelay $0x1  }
0xa1: {  	s23 =	simm.s32 $0x1B8B  }
0xa2: {  	_ =	swait.ge [sflag:s23], $0x1  }
0xa3: {  	[sflag:s23] =	ssyncset.done $0x0  }
0xa4: {  	s25 =	simm.s32 $0x1B8E;
	s24 =	sld [smem:$0x3FFE];
	[sflag:s23] =	ssyncadd.s32 $0xFFFFFFFF  }
0xa5: {  	s26 =	simm.s32 $execute0_lowered;
	[smem:$0x3FD2] =	sst s25  }
0xa6: {  	s5 =	sshll.u32 s26, $0x1;
	_ =	strace $0x80000046;
	[dreg:$0x1] =	wrdreg $0xFFFFFFFF  }
0xa7: {  	s28 =	simm.s32 $_size_execute0_lowered;
	s3 =	sadd.s32 s3, s5;
	[dreg:$0x0] =	wrdreg $0x0  }
0xa8: {  	s5 =	sshll.u32 s28, $0x1;
	[dreg:$0x2] =	wrdreg s3  }
0xa9: {  	[dreg:$0x3] =	wrdreg s5  }
0xaa: {  	[dreg:$0x4] =	wrdreg $0xC0  }
0xab: {  	_ =	task [dreg:s7], $0x5FFFF  }
0xac: {  	[dreg:$0x1] =	wrdreg $0xFFFFFFFF  }
0xad: {  	[dreg:$0x0] =	wrdreg $0x60  }
0xae: {  	[dreg:$0x2] =	wrdreg s24  }
0xaf: {  	[dreg:$0x3] =	wrdreg s2  }
0xb0: {  	[dreg:$0x4] =	wrdreg $0x9  }
0xb1: {  	_ =	task.clear_ibuf [dreg:s7], $0x5FFFF;
	_ =	strace $0x90000046  }
0xb2: {  	s29 =	simm.s32 $0x9;
	_ =	strace $0x80000048  }
0xb3: {  	_ =	swait.ge [sflag:s29], $0x1  }
0xb4: {  	[sflag:s29] =	ssyncadd.s32 $0xFFFFFFFF  }
0xb5: {  	_ =	strace $0x90000048  }
0xb6: {  	_ =	sfence  }
0xb7: {  	s30 =	sld [smem:$0x0];
	_ =	sdelay $0x2  }
0xb8: {  	s31 =	sshll.u32 s1, $0xD;
	s1 =	sshrl.u32 s1, $0x2  }
0xb9: {  	s3 =	sand.u32 $0x4000, s31;
	s1 =	sadd.s32 s1, s30  }
0xba: {  	s0 =	sor.u32 s3, s0;
	s1 =	sshll.u32 s1, $0x11  }
0xbb: {  	s0 =	sor.u32 s1, s0  }
0xbc: {  	s0 =	sadd.s32 $0x8F2B, s0  }
0xbd: {  	[sflag:s0] =	ssyncadd.remote.s32 $0x1  }
0xbe: {  	_ =	sfence.sel $0xFFFF  }
0xbf: {  	[dreg:$0x0] =	wrdreg $0xFFFFFFFF;
	(pc) =	sbr.abs _section_cstart, $3  }
0xc0: {  	[dreg:$0x1] =	wrdreg $0xFFFFFFFF  }
0xc1: {  	_ =	task.clear_ibuf [dreg:s7], $0x2FFFF;
	_ =	strace $0x9FFFFFFF  }
0xc2: {  	(tm) =	ssettm $0x7FFFFFFF  }
0xc3: {  	_ =	shalt  }
tec
execute0_lowered:
.L_overlay_start_1:
0x0: {  	(tag) =	ssettag $0x1  }
0x1: {  	s1 =	srdreg.scid;
	s9 =	rddreg [dreg:$0x0]  }
0x2: {  	s0 =	stileid.u32;
	s3 =	rddreg [dreg:$0x1]  }
0x3: {  	s2 =	simm.s32 $0x0;
	s7 =	simm.s32 $0x80;
	s6 =	sand.u32 $0x1, s1  }
0x4: {  	s4 =	sshll.u32 s0, $0x6;
	s1 =	rddreg [dreg:$0x2];
	s5 =	sshll.u32 s6, $0x5  }
0x5: {  	s8 =	simm.s32 $0x1;
	[smem:$0x7FF] =	sst s2;
	s10 =	sor.u32 s5, s4  }
0x6: {  	_ =	strace $0x80000047;
	s11 =	ssub.s32 $0x2, s6;
	s4 =	sshrl.u32 s10, $0x3  }
0x7: {  	s6 =	simm.s32 $0x20;
	s4 =	sadd.s32 s3, s4;
	s3 =	simm.s32 $0x2  }
0x8: {  	[tilespmem:s2], [sflag:$0x2] =	stream.linear.gather [hbm4b:s4+s2], $0x20, $0x38;
	[tilespmem:$0x1080] =	vst v63  }
0x9: {  	s5 =	sadd.s32 $0xA00, s9;
	s12 =	sshrl.u32 s11, $0x1;
	_ =	swait.ge [sflag:s3], $0x20  }
0xa: {  	s10 =	sshll.u32 s10, $0x4;
	s31 =	ssub.s32 s11, s12;
	[sflag:s3] =	ssyncset.done $0x0  }
0xb: {  	s9 =	sadd.s32 s10, s9;
	s10 =	smax.u32 s31, $0x1;
	[sflag:s3] =	ssyncadd.s32 $0xFFFFFFE0  }
0xc: {  	[tilespmem:s7], [sflag:$0x1] =	stream.indirect.gather [hbm4b:s5+s6], $0x80, s2, s6, $0xb8;
	[tilespmem:$0x1080] =	vst v63  }
0xd: {  	p0 =	sne.s32 s10, $0x1;
	_ =	swait.ge [sflag:s8], $0x1000  }
.Ltmp0:
0xe: {  	[sflag:s8] =	ssyncset.done $0x0;
	(pc) =	sbr.rel @!p0 .LBB2_2-.Ltmp0, $4  }
0xf: {  	s9 =	sadd.s32 $0x4A00, s9;
	[sflag:s8] =	ssyncadd.s32 $0xFFFFF000  }
0x10: {  	[hbm4b:s9+s2] =	stream.linear.scatter [tilespmem:s7], [sflag:$0x2], $0x1000, $0x38;
	[tilespmem:$0x1080] =	vst v63  }
0x11: {  	_ =	swait.ge [sflag:s3], $0x1000  }
0x12: {  	s10 =	sadd.s32 $0xFFFFFFFF, s10;
	[sflag:s3] =	ssyncset.done $0x0  }
.LBB2_1:
0x13: {  	p0 =	sne.s32 s10, $0x1;
	s10 =	sadd.s32 $0xFFFFFFFF, s10;
	[sflag:s3] =	ssyncadd.s32 $0xFFFFF000  }
0x14: {  	[tilespmem:s2], [sflag:$0x2] =	stream.linear.gather [hbm4b:s4+s2], $0x20, $0x38;
	[tilespmem:$0x1080] =	vst v63  }
0x15: {  	_ =	swait.ge [sflag:s3], $0x20  }
0x16: {  	[sflag:s3] =	ssyncset.done $0x0  }
0x17: {  	[sflag:s3] =	ssyncadd.s32 $0xFFFFFFE0  }
0x18: {  	[tilespmem:s7], [sflag:$0x1] =	stream.indirect.gather [hbm4b:s5+s6], $0x80, s2, s6, $0xb8;
	[tilespmem:$0x1080] =	vst v63  }
0x19: {  	_ =	swait.ge [sflag:s8], $0x1000  }
.Ltmp1:
0x1a: {  	[sflag:s8] =	ssyncset.done $0x0;
	(pc) =	sbr.rel @p0 .LBB2_1-.Ltmp1, $4  }
0x1b: {  	[sflag:s8] =	ssyncadd.s32 $0xFFFFF000  }
0x1c: {  	[hbm4b:s9+s2] =	stream.linear.scatter [tilespmem:s7], [sflag:$0x2], $0x1000, $0x38;
	[tilespmem:$0x1080] =	vst v63  }
0x1d: {  	_ =	swait.ge [sflag:s3], $0x1000  }
0x1e: {  	[sflag:s3] =	ssyncset.done $0x0  }
.LBB2_2:
0x1f: {  	[sflag:s3] =	ssyncadd.s32 $0xFFFFF000  }
0x20: {  	_ =	sfence.sel $0x180000  }
0x21: {  	[bflag:$0x0] =	sbarrier.arrive $0xFFFF  }
0x22: {  	p0 =	sne.s32 s0, $0x0;
	_ =	strace $0x90000047  }
0x23: {  	s0 =	sadd.s32 @!p0 $0x100000, s1;
	[bflag:$0x2] =	sbarrier.arrive $0xFFFF  }
0x24: {  	[sflag:s0] =	ssyncadd.tile.s32 @!p0 $0x1;
	_ =	shalt  }
.Lfunc_end2:
_tile_overlayer_lowered:
.L_overlay_start_2:
0x25: {  	(tag) =	ssettag $0x2  }
0x26: {  	s0 =	rddreg [dreg:$0x0];
	s2 =	stileid.u32  }
0x27: {  	s1 =	rddreg [dreg:$0x1];
	p0 =	sne.s32 s2, $0x0  }
0x28: {  	s3 =	rddreg [dreg:$0x2];
	[bflag:$0x3] =	sbarrier.arrive $0xFFFF;
	s2 =	simm.s32 @!p0 $0x1C02  }
0x29: {  	[timem:s3], [sflag:s2] =	dma.local @!p0 [hbm:s0], s1  }
0x2a: {  	s0 =	simm.s32 @!p0 $0x2  }
0x2b: {  	_ =	swait.ge @!p0 [sflag:s0], s1  }
0x2c: {  	s1 =	ssub.s32 @!p0 $0x0, s1;
	[sflag:s0] =	ssyncset.done @!p0 $0x0  }
0x2d: {  	[sflag:s0] =	ssyncadd.s32 @!p0 s1  }
0x2e: {  	[bflag:$0x3] =	sbarrier.arrive $0xFFFF  }
0x2f: {  	_ =	shalt  }

</sc_bundles>
